<compile_context>
chip_gen: v7x
topology: tpu7x:2x2x1
jax: 0.10.2.dev20260603
libtpu: 0.0.44.dev20260713+nightly
codegen_flags: <defaults>
</compile_context>

<pallas_src>
import functools

import jax
import jax.numpy as jnp
from jax import lax
from jax.experimental import pallas as pl
from jax.experimental.pallas import tpu as pltpu
from jax.experimental.pallas import tpu_sc as plsc


@functools.partial(jax.jit, static_argnums=(2, 3))
def _sc_gather(table, xcat2d, n_rows, emb_dim):
    info = plsc.get_sparse_core_info()
    nc, ns = info.num_cores, info.num_subcores
    nw = nc * ns
    batch, setlen = xcat2d.shape
    rows_per_w = batch // nw
    s0 = min(128, setlen)
    splits = [(0, s0)] + ([(s0, setlen - s0)] if setlen > s0 else [])
    n_pairs = rows_per_w // 2
    assert batch % nw == 0 and rows_per_w % 2 == 0
    assert all(sz % 8 == 0 and off % 8 == 0 for off, sz in splits)

    mesh = plsc.VectorSubcoreMesh(core_axis_name="c", subcore_axis_name="s")

    @functools.partial(
        pl.kernel,
        mesh=mesh,
        compiler_params=pltpu.CompilerParams(use_tc_tiling_on_sc=False),
        out_type=jax.ShapeDtypeStruct((n_rows, emb_dim), jnp.float32),
        scratch_types=[
            pltpu.VMEM((rows_per_w, setlen), jnp.int32),
            pltpu.VMEM((2, setlen, emb_dim), jnp.float32),
            pltpu.SemaphoreType.DMA,
            pltpu.SemaphoreType.DMA,
            pltpu.SemaphoreType.DMA,
            pltpu.SemaphoreType.DMA,
        ],
    )
    def gather_kernel(table_hbm, idx_hbm, out_hbm, idx_v, rows_v, g0, g1, w0, w1):
        wid = lax.axis_index("s") * nc + lax.axis_index("c")
        brow = wid * rows_per_w
        pltpu.sync_copy(idx_hbm.at[pl.ds(brow, rows_per_w), :], idx_v)

        gsems = (g0, g1)
        wsems = (w0, w1)

        def fire(r, buf):
            for off, sz in splits:
                pltpu.async_copy(
                    table_hbm.at[idx_v.at[r, pl.ds(off, sz)]],
                    rows_v.at[buf, pl.ds(off, sz)],
                    gsems[buf],
                )

        def drain_gathers(buf):
            for off, sz in splits:
                pltpu.make_async_copy(
                    table_hbm.at[idx_v.at[0, pl.ds(off, sz)]],
                    rows_v.at[buf, pl.ds(off, sz)],
                    gsems[buf],
                ).wait()

        def writeout(r, buf):
            pltpu.async_copy(
                rows_v.at[buf],
                out_hbm.at[pl.ds((brow + r) * setlen, setlen)],
                wsems[buf],
            )

        def drain_writeout(buf):
            pltpu.make_async_copy(
                rows_v.at[buf],
                out_hbm.at[pl.ds(brow * setlen, setlen)],
                wsems[buf],
            ).wait()

        fire(0, 0)

        def body(p, _):
            r0 = 2 * p
            r1 = r0 + 1
            drain_gathers(0)

            @pl.when(p > 0)
            def _():
                drain_writeout(1)
            fire(r1, 1)
            writeout(r0, 0)
            drain_gathers(1)
            drain_writeout(0)

            @pl.when(p + 1 < n_pairs)
            def _():
                fire(r1 + 1, 0)
            writeout(r1, 1)
            return 0

        lax.fori_loop(0, n_pairs, body, 0)
        drain_writeout(1)

    return gather_kernel(table, xcat2d)


def _tc_mlp(g128, f4T, W_bd, wf, b_phi, W_rho, b_rho, W_out, b_out, batch,
            setlen, bb, pack):
    hid = W_rho.shape[0]
    grid = batch // bb
    bbl = bb * setlen
    gb = bbl // pack
    per = setlen // pack

    def body(g_ref, f_ref, wbd_ref, wf_ref, bphi_ref, wrho_ref, brho_ref,
             wout_ref, bout_ref, o_ref):
        e4 = jnp.maximum(g_ref[...], 0.0)
        z4 = lax.dot_general(e4, wbd_ref[...], (((1,), (0,)), ((), ())),
                             preferred_element_type=jnp.float32)
        f4 = jnp.transpose(f_ref[...])
        f4 = f4.astype(jnp.bfloat16).astype(jnp.float32)
        wf_row = wf_ref[...].astype(jnp.bfloat16).astype(jnp.float32)
        bphi = bphi_ref[...]
        hsum = None
        for j in range(pack):
            zj = (z4[:, j * hid:(j + 1) * hid]
                  + f4[:, j:j + 1] * wf_row + bphi)
            hj = jnp.maximum(zj, 0.0)
            hsum = hj if hsum is None else hsum + hj
        pooled = jnp.sum(hsum.reshape(bb, per, hid), axis=1)
        s = lax.dot_general(pooled, wrho_ref[...], (((1,), (0,)), ((), ())),
                            preferred_element_type=jnp.float32)
        s = jnp.maximum(s + brho_ref[...], 0.0)
        o = lax.dot_general(s, wout_ref[...], (((1,), (0,)), ((), ())),
                            preferred_element_type=jnp.float32)
        o_ref[...] = o + bout_ref[...]

    full = lambda shape: pl.BlockSpec(shape, lambda i: (0, 0))
    return pl.pallas_call(
        body,
        grid=(grid,),
        in_specs=[
            pl.BlockSpec((gb, 128), lambda i: (i, 0)),
            pl.BlockSpec((pack, gb), lambda i: (0, i)),
            full(W_bd.shape),
            full(wf.shape),
            full(b_phi.shape),
            full(W_rho.shape),
            full(b_rho.shape),
            full(W_out.shape),
            full(b_out.shape),
        ],
        out_specs=pl.BlockSpec((bb, 1), lambda i: (i, 0)),
        out_shape=jax.ShapeDtypeStruct((batch, 1), jnp.float32),
    )(g128, f4T, W_bd, wf, b_phi, W_rho, b_rho, W_out, b_out)


def kernel(xcat, xfeat, table, W_phi, b_phi, W_rho, b_rho, W_out, b_out):
    batch, setlen = xcat.shape
    nembed, emb_dim = table.shape
    hid = W_phi.shape[1]
    n_rows = batch * setlen
    pack = 128 // emb_dim

    idx2d = xcat.astype(jnp.int32)

    f4T = xfeat.reshape(n_rows // pack, pack).T
    W1 = W_phi[:emb_dim, :]
    wf = W_phi[emb_dim:emb_dim + 1, :]
    W_bd = jnp.zeros((128, pack * hid), jnp.float32)
    for j in range(pack):
        W_bd = W_bd.at[j * emb_dim:(j + 1) * emb_dim, j * hid:(j + 1) * hid].set(W1)

    nseg = 8
    bseg = batch // nseg
    rseg = n_rows // nseg
    outs = []
    for k in range(nseg):
        idx_k = lax.slice_in_dim(idx2d, k * bseg, (k + 1) * bseg)
        g_k = _sc_gather(table, idx_k, rseg, emb_dim)
        g128_k = g_k.reshape(rseg // pack, 128)
        f4T_k = lax.slice_in_dim(f4T, k * rseg // pack,
                                 (k + 1) * rseg // pack, axis=1)
        outs.append(_tc_mlp(g128_k, f4T_k, W_bd, wf, b_phi.reshape(1, hid),
                            W_rho, b_rho.reshape(1, hid), W_out,
                            b_out.reshape(1, 1), bseg, setlen, bb=min(128, bseg),
                            pack=pack))
    return jnp.concatenate(outs, axis=0)

# --- scband reference (transcript-rebuilt; emitter-appended) ---
"""Pipeline reference for scband-baseline-deep-sets-feat-cat-59871844106868 (READ-ONLY COPY).

The authoritative reference and input builder live on the scoring server;
editing this copy changes nothing except your own understanding.
"""

import jax, jax.numpy as jnp
import numpy as np

NEMBED = 1000000
EMBED_DIM = 32
HID_DIM = 128
B = 4096
L = 200

# DeepSets(in_dim, hid_dim, out_dim) is taken as the canonical two-layer DeepSets:
#   phi: Linear(in_dim, hid_dim) + ReLU, applied per set element
#   sum-pool over the set dimension
#   rho: Linear(hid_dim, out_dim)

def setup_inputs(seed: int = 0) -> dict:
    key = jax.random.key(seed)
    ks = jax.random.split(key, 9)
    xcat = jax.random.randint(ks[0], (B, L), 0, NEMBED).astype(jnp.int64)
    xfeat = jax.random.normal(ks[1], (B, L), dtype=jnp.float32)
    table = jax.random.normal(ks[2], (NEMBED, EMBED_DIM), dtype=jnp.float32) * 0.05
    W_phi = jax.random.normal(ks[3], (EMBED_DIM + 1, HID_DIM), dtype=jnp.float32) * (1.0 / np.sqrt(EMBED_DIM + 1))
    b_phi = jnp.zeros((HID_DIM,), dtype=jnp.float32)
    W_rho = jax.random.normal(ks[4], (HID_DIM, HID_DIM), dtype=jnp.float32) * (1.0 / np.sqrt(HID_DIM))
    b_rho = jnp.zeros((HID_DIM,), dtype=jnp.float32)
    W_out = jax.random.normal(ks[5], (HID_DIM, 1), dtype=jnp.float32) * (1.0 / np.sqrt(HID_DIM))
    b_out = jnp.zeros((1,), dtype=jnp.float32)
    return {"xcat": xcat, "xfeat": xfeat, "table": table, "W_phi": W_phi, "b_phi": b_phi, "W_rho": W_rho, "b_rho": b_rho, "W_out": W_out, "b_out": b_out}


def reference(xcat, xfeat, table, W_phi, b_phi, W_rho, b_rho, W_out, b_out):
    # embed = relu(self.embed(xcat))
    emb = jax.nn.relu(jnp.take(table, xcat, axis=0))  # [B, L, EMBED_DIM]
    # embed_catted = cat([embed, xfeat.unsqueeze(-1)], axis=-1)
    x = jnp.concatenate([emb, xfeat[..., None]], axis=-1)  # [B, L, EMBED_DIM+1]
    # DeepSets: per-element phi, sum pool, rho
    h = jax.nn.relu(x @ W_phi + b_phi)  # [B, L, HID_DIM]
    pooled = jnp.sum(h, axis=1)  # [B, HID_DIM]
    set_out = pooled @ W_rho + b_rho  # [B, HID_DIM]
    # set_embed = relu(self.set_embed(...))
    set_embed = jax.nn.relu(set_out)
    # fc_out
    return set_embed @ W_out + b_out  # [B, 1]

if __name__ == "__main__":
    import jax
    _d = setup_inputs()
    print(jax.jit(kernel)(*tuple(_d.values())))

</pallas_src>

<mosaic_0001>
#map = affine_map<(d0, d1) -> (0, 0)>
module attributes {stable_mosaic.version = 14 : i64} {
  func.func @gather_kernel(%arg0: i32, %arg1: i32, %arg2: memref<1000000x32xf32, #tpu.memory_space<hbm>>, %arg3: memref<512x200xi32, #tpu.memory_space<hbm>>, %arg4: memref<102400x32xf32, #tpu.memory_space<hbm>>, %arg5: memref<16x200xi32, #tpu.memory_space<vmem>>, %arg6: memref<2x200x32xf32, #tpu.memory_space<vmem>>, %arg7: memref<!tpu.dma_semaphore, #tpu.memory_space<semaphore_mem>>, %arg8: memref<!tpu.dma_semaphore, #tpu.memory_space<semaphore_mem>>, %arg9: memref<!tpu.dma_semaphore, #tpu.memory_space<semaphore_mem>>, %arg10: memref<!tpu.dma_semaphore, #tpu.memory_space<semaphore_mem>>) attributes {dimension_semantics = [#tpu.dimension_semantics<core_parallel>, #tpu.dimension_semantics<subcore_parallel>], iteration_bounds = array<i64: 2, 16>, scalar_prefetch = 0 : i64, scratch_operands = 6 : i64, tpu.core_type = #tpu.core_type<sc_vector_subcore>, window_params = [{transform_indices = #map}, {transform_indices = #map}, {transform_indices = #map}]} {
    %mul3A = arith.constant 2 : i32
    %mul3A_0 = arith.muli %arg1, %mul3A : i32
    %add3A = arith.addi %mul3A_0, %arg0 : i32
    %mul3A_1 = arith.constant 16 : i32
    %mul3A_2 = arith.muli %add3A, %mul3A_1 : i32
    "tpu.region"() ({
      %run_scoped3A = tpu.sem_alloc : memref<!tpu.dma_semaphore, #tpu.memory_space<semaphore_mem>>
      %dma_start3A_46 = arith.constant 0 : i32
      %dma_start3A_47 = tpu.memref_slice %arg3[%mul3A_2, %dma_start3A_46] : memref<512x200xi32, #tpu.memory_space<hbm>> -> memref<16x200xi32, #tpu.memory_space<hbm>>
      %dma_start3A_48 = arith.constant 0 : i32
      %dma_start3A_49 = tpu.memref_slice %arg3[%mul3A_2, %dma_start3A_48] : memref<512x200xi32, #tpu.memory_space<hbm>> -> memref<16x200xi32, #tpu.memory_space<hbm>>
      tpu.enqueue_dma source(%dma_start3A_49 : memref<16x200xi32, #tpu.memory_space<hbm>>) target(%arg5 : memref<16x200xi32, #tpu.memory_space<vmem>>) target_semaphore(%run_scoped3A : memref<!tpu.dma_semaphore, #tpu.memory_space<semaphore_mem>>)
      %dma_wait3A_50 = arith.constant 0 : i32
      %dma_wait3A_51 = tpu.memref_slice %arg3[%mul3A_2, %dma_wait3A_50] : memref<512x200xi32, #tpu.memory_space<hbm>> -> memref<16x200xi32, #tpu.memory_space<hbm>>
      %dma_wait3A_52 = arith.constant 0 : i32
      %dma_wait3A_53 = tpu.memref_slice %arg3[%mul3A_2, %dma_wait3A_52] : memref<512x200xi32, #tpu.memory_space<hbm>> -> memref<16x200xi32, #tpu.memory_space<hbm>>
      tpu.wait_dma2 semaphore(%run_scoped3A : memref<!tpu.dma_semaphore, #tpu.memory_space<semaphore_mem>>) src(%dma_wait3A_53 : memref<16x200xi32, #tpu.memory_space<hbm>>) dst(%arg5 : memref<16x200xi32, #tpu.memory_space<vmem>>)
      tpu.yield
    }) : () -> ()
    %dma_start3A = arith.constant 0 : i32
    %dma_start3A_3 = arith.constant 0 : i32
    %dma_start3A_4 = arith.constant 0 : i32
    %dma_start3A_5 = arith.constant 0 : i32
    %dma_start3A_6 = tpu.memref_slice %arg6[%dma_start3A_3, %dma_start3A_4, %dma_start3A_5] : memref<2x200x32xf32, #tpu.memory_space<vmem>> -> memref<1x128x32xf32, #tpu.memory_space<vmem>>
    %dma_start3A_7 = tpu.memref_squeeze %dma_start3A_6 : memref<1x128x32xf32, #tpu.memory_space<vmem>> -> memref<128x32xf32, #tpu.memory_space<vmem>>
    %dma_start3A_8 = arith.constant 0 : i32
    %dma_start3A_9 = tpu.memref_slice %arg5[%dma_start3A, %dma_start3A_8] : memref<16x200xi32, #tpu.memory_space<vmem>> -> memref<1x128xi32, #tpu.memory_space<vmem>>
    %dma_start3A_10 = tpu.memref_squeeze %dma_start3A_9 : memref<1x128xi32, #tpu.memory_space<vmem>> -> memref<128xi32, #tpu.memory_space<vmem>>
    %dma_start3A_11 = arith.constant 0 : i32
    %dma_start3A_12 = arith.constant 0 : i32
    %dma_start3A_13 = tpu.memref_slice %arg2[%dma_start3A_11, %dma_start3A_12] : memref<1000000x32xf32, #tpu.memory_space<hbm>> -> memref<1000000x32xf32, #tpu.memory_space<hbm>>
    tpu.enqueue_indirect_dma source(%dma_start3A_13 : memref<1000000x32xf32, #tpu.memory_space<hbm>>) target(%dma_start3A_7 : memref<128x32xf32, #tpu.memory_space<vmem>>) offsets(%dma_start3A_10 : memref<128xi32, #tpu.memory_space<vmem>>) semaphore(%arg7 : memref<!tpu.dma_semaphore, #tpu.memory_space<semaphore_mem>>)
    %dma_start3A_14 = arith.constant 0 : i32
    %dma_start3A_15 = arith.constant 0 : i32
    %dma_start3A_16 = arith.constant 128 : i32
    %dma_start3A_17 = arith.constant 0 : i32
    %dma_start3A_18 = tpu.memref_slice %arg6[%dma_start3A_15, %dma_start3A_16, %dma_start3A_17] : memref<2x200x32xf32, #tpu.memory_space<vmem>> -> memref<1x72x32xf32, #tpu.memory_space<vmem>>
    %dma_start3A_19 = tpu.memref_squeeze %dma_start3A_18 : memref<1x72x32xf32, #tpu.memory_space<vmem>> -> memref<72x32xf32, #tpu.memory_space<vmem>>
    %dma_start3A_20 = arith.constant 128 : i32
    %dma_start3A_21 = tpu.memref_slice %arg5[%dma_start3A_14, %dma_start3A_20] : memref<16x200xi32, #tpu.memory_space<vmem>> -> memref<1x72xi32, #tpu.memory_space<vmem>>
    %dma_start3A_22 = tpu.memref_squeeze %dma_start3A_21 : memref<1x72xi32, #tpu.memory_space<vmem>> -> memref<72xi32, #tpu.memory_space<vmem>>
    %dma_start3A_23 = arith.constant 0 : i32
    %dma_start3A_24 = arith.constant 0 : i32
    %dma_start3A_25 = tpu.memref_slice %arg2[%dma_start3A_23, %dma_start3A_24] : memref<1000000x32xf32, #tpu.memory_space<hbm>> -> memref<1000000x32xf32, #tpu.memory_space<hbm>>
    tpu.enqueue_indirect_dma source(%dma_start3A_25 : memref<1000000x32xf32, #tpu.memory_space<hbm>>) target(%dma_start3A_19 : memref<72x32xf32, #tpu.memory_space<vmem>>) offsets(%dma_start3A_22 : memref<72xi32, #tpu.memory_space<vmem>>) semaphore(%arg7 : memref<!tpu.dma_semaphore, #tpu.memory_space<semaphore_mem>>)
    %scan3A = arith.constant 0 : i32
    %scan3A_26 = arith.constant 0 : i32
    %scan3A_27 = arith.constant 8 : i32
    %scan3A_28 = arith.addi %scan3A_26, %scan3A_27 : i32
    %scan3A_29 = arith.constant 1 : i32
    %scan3A_30 = scf.for %scan3A_46 = %scan3A_26 to %scan3A_28 step %scan3A_29 iter_args(%scan3A_47 = %scan3A) -> (i32)  : i32 {
      %mul3A_48 = arith.constant 2 : i32
      %mul3A_49 = arith.muli %mul3A_48, %scan3A_46 : i32
      %add3A_50 = arith.constant 1 : i32
      %add3A_51 = arith.addi %mul3A_49, %add3A_50 : i32
      %dma_wait3A_52 = arith.constant 0 : i32
      %dma_wait3A_53 = arith.constant 0 : i32
      %dma_wait3A_54 = arith.constant 0 : i32
      %dma_wait3A_55 = arith.constant 0 : i32
      %dma_wait3A_56 = tpu.memref_slice %arg6[%dma_wait3A_53, %dma_wait3A_54, %dma_wait3A_55] : memref<2x200x32xf32, #tpu.memory_space<vmem>> -> memref<1x128x32xf32, #tpu.memory_space<vmem>>
      %dma_wait3A_57 = tpu.memref_squeeze %dma_wait3A_56 : memref<1x128x32xf32, #tpu.memory_space<vmem>> -> memref<128x32xf32, #tpu.memory_space<vmem>>
      %dma_wait3A_58 = arith.constant 0 : i32
      %dma_wait3A_59 = tpu.memref_slice %arg5[%dma_wait3A_52, %dma_wait3A_58] : memref<16x200xi32, #tpu.memory_space<vmem>> -> memref<1x128xi32, #tpu.memory_space<vmem>>
      %dma_wait3A_60 = tpu.memref_squeeze %dma_wait3A_59 : memref<1x128xi32, #tpu.memory_space<vmem>> -> memref<128xi32, #tpu.memory_space<vmem>>
      %dma_wait3A_61 = arith.constant 0 : i32
      %dma_wait3A_62 = arith.constant 0 : i32
      %dma_wait3A_63 = tpu.memref_slice %arg2[%dma_wait3A_61, %dma_wait3A_62] : memref<1000000x32xf32, #tpu.memory_space<hbm>> -> memref<1000000x32xf32, #tpu.memory_space<hbm>>
      tpu.wait_indirect_dma semaphore(%arg7 : memref<!tpu.dma_semaphore, #tpu.memory_space<semaphore_mem>>) src(%dma_wait3A_63 : memref<1000000x32xf32, #tpu.memory_space<hbm>>) dst(%dma_wait3A_57 : memref<128x32xf32, #tpu.memory_space<vmem>>)
      %dma_wait3A_64 = arith.constant 0 : i32
      %dma_wait3A_65 = arith.constant 0 : i32
      %dma_wait3A_66 = arith.constant 128 : i32
      %dma_wait3A_67 = arith.constant 0 : i32
      %dma_wait3A_68 = tpu.memref_slice %arg6[%dma_wait3A_65, %dma_wait3A_66, %dma_wait3A_67] : memref<2x200x32xf32, #tpu.memory_space<vmem>> -> memref<1x72x32xf32, #tpu.memory_space<vmem>>
      %dma_wait3A_69 = tpu.memref_squeeze %dma_wait3A_68 : memref<1x72x32xf32, #tpu.memory_space<vmem>> -> memref<72x32xf32, #tpu.memory_space<vmem>>
      %dma_wait3A_70 = arith.constant 128 : i32
      %dma_wait3A_71 = tpu.memref_slice %arg5[%dma_wait3A_64, %dma_wait3A_70] : memref<16x200xi32, #tpu.memory_space<vmem>> -> memref<1x72xi32, #tpu.memory_space<vmem>>
      %dma_wait3A_72 = tpu.memref_squeeze %dma_wait3A_71 : memref<1x72xi32, #tpu.memory_space<vmem>> -> memref<72xi32, #tpu.memory_space<vmem>>
      %dma_wait3A_73 = arith.constant 0 : i32
      %dma_wait3A_74 = arith.constant 0 : i32
      %dma_wait3A_75 = tpu.memref_slice %arg2[%dma_wait3A_73, %dma_wait3A_74] : memref<1000000x32xf32, #tpu.memory_space<hbm>> -> memref<1000000x32xf32, #tpu.memory_space<hbm>>
      tpu.wait_indirect_dma semaphore(%arg7 : memref<!tpu.dma_semaphore, #tpu.memory_space<semaphore_mem>>) src(%dma_wait3A_75 : memref<1000000x32xf32, #tpu.memory_space<hbm>>) dst(%dma_wait3A_69 : memref<72x32xf32, #tpu.memory_space<vmem>>)
      %gt3A = arith.constant 0 : i32
      %gt3A_76 = arith.cmpi sgt, %scan3A_46, %gt3A : i32
      %convert_element_type3A = arith.extui %gt3A_76 : i1 to i32
      %cond3A = arith.constant 0 : i32
      %cond3A_77 = arith.cmpi ne, %convert_element_type3A, %cond3A : i32
      scf.if %cond3A_77 {
        %mul3A_178 = arith.constant 200 : i32
        %mul3A_179 = arith.muli %mul3A_2, %mul3A_178 : i32
        %dma_wait3A_180 = arith.constant 1 : i32
        %dma_wait3A_181 = arith.constant 0 : i32
        %dma_wait3A_182 = arith.constant 0 : i32
        %dma_wait3A_183 = tpu.memref_slice %arg6[%dma_wait3A_180, %dma_wait3A_181, %dma_wait3A_182] : memref<2x200x32xf32, #tpu.memory_space<vmem>> -> memref<1x200x32xf32, #tpu.memory_space<vmem>>
        %dma_wait3A_184 = tpu.memref_squeeze %dma_wait3A_183 : memref<1x200x32xf32, #tpu.memory_space<vmem>> -> memref<200x32xf32, #tpu.memory_space<vmem>>
        %dma_wait3A_185 = arith.constant 0 : i32
        %dma_wait3A_186 = tpu.memref_slice %arg4[%mul3A_179, %dma_wait3A_185] : memref<102400x32xf32, #tpu.memory_space<hbm>> -> memref<200x32xf32, #tpu.memory_space<hbm>>
        %dma_wait3A_187 = arith.constant 0 : i32
        %dma_wait3A_188 = tpu.memref_slice %arg4[%mul3A_179, %dma_wait3A_187] : memref<102400x32xf32, #tpu.memory_space<hbm>> -> memref<200x32xf32, #tpu.memory_space<hbm>>
        %dma_wait3A_189 = arith.constant 0 : i32
        %dma_wait3A_190 = arith.constant 0 : i32
        %dma_wait3A_191 = tpu.memref_slice %arg6[%dma_wait3A_180, %dma_wait3A_189, %dma_wait3A_190] : memref<2x200x32xf32, #tpu.memory_space<vmem>> -> memref<1x200x32xf32, #tpu.memory_space<vmem>>
        %dma_wait3A_192 = tpu.memref_squeeze %dma_wait3A_191 : memref<1x200x32xf32, #tpu.memory_space<vmem>> -> memref<200x32xf32, #tpu.memory_space<vmem>>
        tpu.wait_dma2 semaphore(%arg10 : memref<!tpu.dma_semaphore, #tpu.memory_space<semaphore_mem>>) src(%dma_wait3A_192 : memref<200x32xf32, #tpu.memory_space<vmem>>) dst(%dma_wait3A_188 : memref<200x32xf32, #tpu.memory_space<hbm>>)
      } else {
      }
      %dma_start3A_78 = arith.constant 1 : i32
      %dma_start3A_79 = arith.constant 0 : i32
      %dma_start3A_80 = arith.constant 0 : i32
      %dma_start3A_81 = tpu.memref_slice %arg6[%dma_start3A_78, %dma_start3A_79, %dma_start3A_80] : memref<2x200x32xf32, #tpu.memory_space<vmem>> -> memref<1x128x32xf32, #tpu.memory_space<vmem>>
      %dma_start3A_82 = tpu.memref_squeeze %dma_start3A_81 : memref<1x128x32xf32, #tpu.memory_space<vmem>> -> memref<128x32xf32, #tpu.memory_space<vmem>>
      %dma_start3A_83 = arith.constant 0 : i32
      %dma_start3A_84 = tpu.memref_slice %arg5[%add3A_51, %dma_start3A_83] : memref<16x200xi32, #tpu.memory_space<vmem>> -> memref<1x128xi32, #tpu.memory_space<vmem>>
      %dma_start3A_85 = tpu.memref_squeeze %dma_start3A_84 : memref<1x128xi32, #tpu.memory_space<vmem>> -> memref<128xi32, #tpu.memory_space<vmem>>
      %dma_start3A_86 = arith.constant 0 : i32
      %dma_start3A_87 = arith.constant 0 : i32
      %dma_start3A_88 = tpu.memref_slice %arg2[%dma_start3A_86, %dma_start3A_87] : memref<1000000x32xf32, #tpu.memory_space<hbm>> -> memref<1000000x32xf32, #tpu.memory_space<hbm>>
      tpu.enqueue_indirect_dma source(%dma_start3A_88 : memref<1000000x32xf32, #tpu.memory_space<hbm>>) target(%dma_start3A_82 : memref<128x32xf32, #tpu.memory_space<vmem>>) offsets(%dma_start3A_85 : memref<128xi32, #tpu.memory_space<vmem>>) semaphore(%arg8 : memref<!tpu.dma_semaphore, #tpu.memory_space<semaphore_mem>>)
      %dma_start3A_89 = arith.constant 1 : i32
      %dma_start3A_90 = arith.constant 128 : i32
      %dma_start3A_91 = arith.constant 0 : i32
      %dma_start3A_92 = tpu.memref_slice %arg6[%dma_start3A_89, %dma_start3A_90, %dma_start3A_91] : memref<2x200x32xf32, #tpu.memory_space<vmem>> -> memref<1x72x32xf32, #tpu.memory_space<vmem>>
      %dma_start3A_93 = tpu.memref_squeeze %dma_start3A_92 : memref<1x72x32xf32, #tpu.memory_space<vmem>> -> memref<72x32xf32, #tpu.memory_space<vmem>>
      %dma_start3A_94 = arith.constant 128 : i32
      %dma_start3A_95 = tpu.memref_slice %arg5[%add3A_51, %dma_start3A_94] : memref<16x200xi32, #tpu.memory_space<vmem>> -> memref<1x72xi32, #tpu.memory_space<vmem>>
      %dma_start3A_96 = tpu.memref_squeeze %dma_start3A_95 : memref<1x72xi32, #tpu.memory_space<vmem>> -> memref<72xi32, #tpu.memory_space<vmem>>
      %dma_start3A_97 = arith.constant 0 : i32
      %dma_start3A_98 = arith.constant 0 : i32
      %dma_start3A_99 = tpu.memref_slice %arg2[%dma_start3A_97, %dma_start3A_98] : memref<1000000x32xf32, #tpu.memory_space<hbm>> -> memref<1000000x32xf32, #tpu.memory_space<hbm>>
      tpu.enqueue_indirect_dma source(%dma_start3A_99 : memref<1000000x32xf32, #tpu.memory_space<hbm>>) target(%dma_start3A_93 : memref<72x32xf32, #tpu.memory_space<vmem>>) offsets(%dma_start3A_96 : memref<72xi32, #tpu.memory_space<vmem>>) semaphore(%arg8 : memref<!tpu.dma_semaphore, #tpu.memory_space<semaphore_mem>>)
      %add3A_100 = arith.addi %mul3A_2, %mul3A_49 : i32
      %mul3A_101 = arith.constant 200 : i32
      %mul3A_102 = arith.muli %add3A_100, %mul3A_101 : i32
      %dma_start3A_103 = arith.constant 0 : i32
      %dma_start3A_104 = arith.constant 0 : i32
      %dma_start3A_105 = arith.constant 0 : i32
      %dma_start3A_106 = tpu.memref_slice %arg6[%dma_start3A_103, %dma_start3A_104, %dma_start3A_105] : memref<2x200x32xf32, #tpu.memory_space<vmem>> -> memref<1x200x32xf32, #tpu.memory_space<vmem>>
      %dma_start3A_107 = tpu.memref_squeeze %dma_start3A_106 : memref<1x200x32xf32, #tpu.memory_space<vmem>> -> memref<200x32xf32, #tpu.memory_space<vmem>>
      %dma_start3A_108 = arith.constant 0 : i32
      %dma_start3A_109 = tpu.memref_slice %arg4[%mul3A_102, %dma_start3A_108] : memref<102400x32xf32, #tpu.memory_space<hbm>> -> memref<200x32xf32, #tpu.memory_space<hbm>>
      %dma_start3A_110 = arith.constant 0 : i32
      %dma_start3A_111 = tpu.memref_slice %arg4[%mul3A_102, %dma_start3A_110] : memref<102400x32xf32, #tpu.memory_space<hbm>> -> memref<200x32xf32, #tpu.memory_space<hbm>>
      %dma_start3A_112 = arith.constant 0 : i32
      %dma_start3A_113 = arith.constant 0 : i32
      %dma_start3A_114 = tpu.memref_slice %arg6[%dma_start3A_103, %dma_start3A_112, %dma_start3A_113] : memref<2x200x32xf32, #tpu.memory_space<vmem>> -> memref<1x200x32xf32, #tpu.memory_space<vmem>>
      %dma_start3A_115 = tpu.memref_squeeze %dma_start3A_114 : memref<1x200x32xf32, #tpu.memory_space<vmem>> -> memref<200x32xf32, #tpu.memory_space<vmem>>
      tpu.enqueue_dma source(%dma_start3A_115 : memref<200x32xf32, #tpu.memory_space<vmem>>) target(%dma_start3A_111 : memref<200x32xf32, #tpu.memory_space<hbm>>) target_semaphore(%arg9 : memref<!tpu.dma_semaphore, #tpu.memory_space<semaphore_mem>>)
      %dma_wait3A_116 = arith.constant 0 : i32
      %dma_wait3A_117 = arith.constant 1 : i32
      %dma_wait3A_118 = arith.constant 0 : i32
      %dma_wait3A_119 = arith.constant 0 : i32
      %dma_wait3A_120 = tpu.memref_slice %arg6[%dma_wait3A_117, %dma_wait3A_118, %dma_wait3A_119] : memref<2x200x32xf32, #tpu.memory_space<vmem>> -> memref<1x128x32xf32, #tpu.memory_space<vmem>>
      %dma_wait3A_121 = tpu.memref_squeeze %dma_wait3A_120 : memref<1x128x32xf32, #tpu.memory_space<vmem>> -> memref<128x32xf32, #tpu.memory_space<vmem>>
      %dma_wait3A_122 = arith.constant 0 : i32
      %dma_wait3A_123 = tpu.memref_slice %arg5[%dma_wait3A_116, %dma_wait3A_122] : memref<16x200xi32, #tpu.memory_space<vmem>> -> memref<1x128xi32, #tpu.memory_space<vmem>>
      %dma_wait3A_124 = tpu.memref_squeeze %dma_wait3A_123 : memref<1x128xi32, #tpu.memory_space<vmem>> -> memref<128xi32, #tpu.memory_space<vmem>>
      %dma_wait3A_125 = arith.constant 0 : i32
      %dma_wait3A_126 = arith.constant 0 : i32
      %dma_wait3A_127 = tpu.memref_slice %arg2[%dma_wait3A_125, %dma_wait3A_126] : memref<1000000x32xf32, #tpu.memory_space<hbm>> -> memref<1000000x32xf32, #tpu.memory_space<hbm>>
      tpu.wait_indirect_dma semaphore(%arg8 : memref<!tpu.dma_semaphore, #tpu.memory_space<semaphore_mem>>) src(%dma_wait3A_127 : memref<1000000x32xf32, #tpu.memory_space<hbm>>) dst(%dma_wait3A_121 : memref<128x32xf32, #tpu.memory_space<vmem>>)
      %dma_wait3A_128 = arith.constant 0 : i32
      %dma_wait3A_129 = arith.constant 1 : i32
      %dma_wait3A_130 = arith.constant 128 : i32
      %dma_wait3A_131 = arith.constant 0 : i32
      %dma_wait3A_132 = tpu.memref_slice %arg6[%dma_wait3A_129, %dma_wait3A_130, %dma_wait3A_131] : memref<2x200x32xf32, #tpu.memory_space<vmem>> -> memref<1x72x32xf32, #tpu.memory_space<vmem>>
      %dma_wait3A_133 = tpu.memref_squeeze %dma_wait3A_132 : memref<1x72x32xf32, #tpu.memory_space<vmem>> -> memref<72x32xf32, #tpu.memory_space<vmem>>
      %dma_wait3A_134 = arith.constant 128 : i32
      %dma_wait3A_135 = tpu.memref_slice %arg5[%dma_wait3A_128, %dma_wait3A_134] : memref<16x200xi32, #tpu.memory_space<vmem>> -> memref<1x72xi32, #tpu.memory_space<vmem>>
      %dma_wait3A_136 = tpu.memref_squeeze %dma_wait3A_135 : memref<1x72xi32, #tpu.memory_space<vmem>> -> memref<72xi32, #tpu.memory_space<vmem>>
      %dma_wait3A_137 = arith.constant 0 : i32
      %dma_wait3A_138 = arith.constant 0 : i32
      %dma_wait3A_139 = tpu.memref_slice %arg2[%dma_wait3A_137, %dma_wait3A_138] : memref<1000000x32xf32, #tpu.memory_space<hbm>> -> memref<1000000x32xf32, #tpu.memory_space<hbm>>
      tpu.wait_indirect_dma semaphore(%arg8 : memref<!tpu.dma_semaphore, #tpu.memory_space<semaphore_mem>>) src(%dma_wait3A_139 : memref<1000000x32xf32, #tpu.memory_space<hbm>>) dst(%dma_wait3A_133 : memref<72x32xf32, #tpu.memory_space<vmem>>)
      %mul3A_140 = arith.constant 200 : i32
      %mul3A_141 = arith.muli %mul3A_2, %mul3A_140 : i32
      %dma_wait3A_142 = arith.constant 0 : i32
      %dma_wait3A_143 = arith.constant 0 : i32
      %dma_wait3A_144 = arith.constant 0 : i32
      %dma_wait3A_145 = tpu.memref_slice %arg6[%dma_wait3A_142, %dma_wait3A_143, %dma_wait3A_144] : memref<2x200x32xf32, #tpu.memory_space<vmem>> -> memref<1x200x32xf32, #tpu.memory_space<vmem>>
      %dma_wait3A_146 = tpu.memref_squeeze %dma_wait3A_145 : memref<1x200x32xf32, #tpu.memory_space<vmem>> -> memref<200x32xf32, #tpu.memory_space<vmem>>
      %dma_wait3A_147 = arith.constant 0 : i32
      %dma_wait3A_148 = tpu.memref_slice %arg4[%mul3A_141, %dma_wait3A_147] : memref<102400x32xf32, #tpu.memory_space<hbm>> -> memref<200x32xf32, #tpu.memory_space<hbm>>
      %dma_wait3A_149 = arith.constant 0 : i32
      %dma_wait3A_150 = tpu.memref_slice %arg4[%mul3A_141, %dma_wait3A_149] : memref<102400x32xf32, #tpu.memory_space<hbm>> -> memref<200x32xf32, #tpu.memory_space<hbm>>
      %dma_wait3A_151 = arith.constant 0 : i32
      %dma_wait3A_152 = arith.constant 0 : i32
      %dma_wait3A_153 = tpu.memref_slice %arg6[%dma_wait3A_142, %dma_wait3A_151, %dma_wait3A_152] : memref<2x200x32xf32, #tpu.memory_space<vmem>> -> memref<1x200x32xf32, #tpu.memory_space<vmem>>
      %dma_wait3A_154 = tpu.memref_squeeze %dma_wait3A_153 : memref<1x200x32xf32, #tpu.memory_space<vmem>> -> memref<200x32xf32, #tpu.memory_space<vmem>>
      tpu.wait_dma2 semaphore(%arg9 : memref<!tpu.dma_semaphore, #tpu.memory_space<semaphore_mem>>) src(%dma_wait3A_154 : memref<200x32xf32, #tpu.memory_space<vmem>>) dst(%dma_wait3A_150 : memref<200x32xf32, #tpu.memory_space<hbm>>)
      %add3A_155 = arith.constant 1 : i32
      %add3A_156 = arith.addi %scan3A_46, %add3A_155 : i32
      %lt3A = arith.constant 8 : i32
      %lt3A_157 = arith.cmpi slt, %add3A_156, %lt3A : i32
      %convert_element_type3A_158 = arith.extui %lt3A_157 : i1 to i32
      %cond3A_159 = arith.constant 0 : i32
      %cond3A_160 = arith.cmpi ne, %convert_element_type3A_158, %cond3A_159 : i32
      scf.if %cond3A_160 {
        %add3A_178 = arith.constant 1 : i32
        %add3A_179 = arith.addi %add3A_51, %add3A_178 : i32
        %dma_start3A_180 = arith.constant 0 : i32
        %dma_start3A_181 = arith.constant 0 : i32
        %dma_start3A_182 = arith.constant 0 : i32
        %dma_start3A_183 = tpu.memref_slice %arg6[%dma_start3A_180, %dma_start3A_181, %dma_start3A_182] : memref<2x200x32xf32, #tpu.memory_space<vmem>> -> memref<1x128x32xf32, #tpu.memory_space<vmem>>
        %dma_start3A_184 = tpu.memref_squeeze %dma_start3A_183 : memref<1x128x32xf32, #tpu.memory_space<vmem>> -> memref<128x32xf32, #tpu.memory_space<vmem>>
        %dma_start3A_185 = arith.constant 0 : i32
        %dma_start3A_186 = tpu.memref_slice %arg5[%add3A_179, %dma_start3A_185] : memref<16x200xi32, #tpu.memory_space<vmem>> -> memref<1x128xi32, #tpu.memory_space<vmem>>
        %dma_start3A_187 = tpu.memref_squeeze %dma_start3A_186 : memref<1x128xi32, #tpu.memory_space<vmem>> -> memref<128xi32, #tpu.memory_space<vmem>>
        %dma_start3A_188 = arith.constant 0 : i32
        %dma_start3A_189 = arith.constant 0 : i32
        %dma_start3A_190 = tpu.memref_slice %arg2[%dma_start3A_188, %dma_start3A_189] : memref<1000000x32xf32, #tpu.memory_space<hbm>> -> memref<1000000x32xf32, #tpu.memory_space<hbm>>
        tpu.enqueue_indirect_dma source(%dma_start3A_190 : memref<1000000x32xf32, #tpu.memory_space<hbm>>) target(%dma_start3A_184 : memref<128x32xf32, #tpu.memory_space<vmem>>) offsets(%dma_start3A_187 : memref<128xi32, #tpu.memory_space<vmem>>) semaphore(%arg7 : memref<!tpu.dma_semaphore, #tpu.memory_space<semaphore_mem>>)
        %dma_start3A_191 = arith.constant 0 : i32
        %dma_start3A_192 = arith.constant 128 : i32
        %dma_start3A_193 = arith.constant 0 : i32
        %dma_start3A_194 = tpu.memref_slice %arg6[%dma_start3A_191, %dma_start3A_192, %dma_start3A_193] : memref<2x200x32xf32, #tpu.memory_space<vmem>> -> memref<1x72x32xf32, #tpu.memory_space<vmem>>
        %dma_start3A_195 = tpu.memref_squeeze %dma_start3A_194 : memref<1x72x32xf32, #tpu.memory_space<vmem>> -> memref<72x32xf32, #tpu.memory_space<vmem>>
        %dma_start3A_196 = arith.constant 128 : i32
        %dma_start3A_197 = tpu.memref_slice %arg5[%add3A_179, %dma_start3A_196] : memref<16x200xi32, #tpu.memory_space<vmem>> -> memref<1x72xi32, #tpu.memory_space<vmem>>
        %dma_start3A_198 = tpu.memref_squeeze %dma_start3A_197 : memref<1x72xi32, #tpu.memory_space<vmem>> -> memref<72xi32, #tpu.memory_space<vmem>>
        %dma_start3A_199 = arith.constant 0 : i32
        %dma_start3A_200 = arith.constant 0 : i32
        %dma_start3A_201 = tpu.memref_slice %arg2[%dma_start3A_199, %dma_start3A_200] : memref<1000000x32xf32, #tpu.memory_space<hbm>> -> memref<1000000x32xf32, #tpu.memory_space<hbm>>
        tpu.enqueue_indirect_dma source(%dma_start3A_201 : memref<1000000x32xf32, #tpu.memory_space<hbm>>) target(%dma_start3A_195 : memref<72x32xf32, #tpu.memory_space<vmem>>) offsets(%dma_start3A_198 : memref<72xi32, #tpu.memory_space<vmem>>) semaphore(%arg7 : memref<!tpu.dma_semaphore, #tpu.memory_space<semaphore_mem>>)
      } else {
      }
      %add3A_161 = arith.addi %mul3A_2, %add3A_51 : i32
      %mul3A_162 = arith.constant 200 : i32
      %mul3A_163 = arith.muli %add3A_161, %mul3A_162 : i32
      %dma_start3A_164 = arith.constant 1 : i32
      %dma_start3A_165 = arith.constant 0 : i32
      %dma_start3A_166 = arith.constant 0 : i32
      %dma_start3A_167 = tpu.memref_slice %arg6[%dma_start3A_164, %dma_start3A_165, %dma_start3A_166] : memref<2x200x32xf32, #tpu.memory_space<vmem>> -> memref<1x200x32xf32, #tpu.memory_space<vmem>>
      %dma_start3A_168 = tpu.memref_squeeze %dma_start3A_167 : memref<1x200x32xf32, #tpu.memory_space<vmem>> -> memref<200x32xf32, #tpu.memory_space<vmem>>
      %dma_start3A_169 = arith.constant 0 : i32
      %dma_start3A_170 = tpu.memref_slice %arg4[%mul3A_163, %dma_start3A_169] : memref<102400x32xf32, #tpu.memory_space<hbm>> -> memref<200x32xf32, #tpu.memory_space<hbm>>
      %dma_start3A_171 = arith.constant 0 : i32
      %dma_start3A_172 = tpu.memref_slice %arg4[%mul3A_163, %dma_start3A_171] : memref<102400x32xf32, #tpu.memory_space<hbm>> -> memref<200x32xf32, #tpu.memory_space<hbm>>
      %dma_start3A_173 = arith.constant 0 : i32
      %dma_start3A_174 = arith.constant 0 : i32
      %dma_start3A_175 = tpu.memref_slice %arg6[%dma_start3A_164, %dma_start3A_173, %dma_start3A_174] : memref<2x200x32xf32, #tpu.memory_space<vmem>> -> memref<1x200x32xf32, #tpu.memory_space<vmem>>
      %dma_start3A_176 = tpu.memref_squeeze %dma_start3A_175 : memref<1x200x32xf32, #tpu.memory_space<vmem>> -> memref<200x32xf32, #tpu.memory_space<vmem>>
      tpu.enqueue_dma source(%dma_start3A_176 : memref<200x32xf32, #tpu.memory_space<vmem>>) target(%dma_start3A_172 : memref<200x32xf32, #tpu.memory_space<hbm>>) target_semaphore(%arg10 : memref<!tpu.dma_semaphore, #tpu.memory_space<semaphore_mem>>)
      %scan3A_177 = arith.constant 0 : i32
      scf.yield %scan3A_177 : i32
    }
    %scan3A_31 = arith.constant 8 : i32
    %mul3A_32 = arith.constant 200 : i32
    %mul3A_33 = arith.muli %mul3A_2, %mul3A_32 : i32
    %dma_wait3A = arith.constant 1 : i32
    %dma_wait3A_34 = arith.constant 0 : i32
    %dma_wait3A_35 = arith.constant 0 : i32
    %dma_wait3A_36 = tpu.memref_slice %arg6[%dma_wait3A, %dma_wait3A_34, %dma_wait3A_35] : memref<2x200x32xf32, #tpu.memory_space<vmem>> -> memref<1x200x32xf32, #tpu.memory_space<vmem>>
    %dma_wait3A_37 = tpu.memref_squeeze %dma_wait3A_36 : memref<1x200x32xf32, #tpu.memory_space<vmem>> -> memref<200x32xf32, #tpu.memory_space<vmem>>
    %dma_wait3A_38 = arith.constant 0 : i32
    %dma_wait3A_39 = tpu.memref_slice %arg4[%mul3A_33, %dma_wait3A_38] : memref<102400x32xf32, #tpu.memory_space<hbm>> -> memref<200x32xf32, #tpu.memory_space<hbm>>
    %dma_wait3A_40 = arith.constant 0 : i32
    %dma_wait3A_41 = tpu.memref_slice %arg4[%mul3A_33, %dma_wait3A_40] : memref<102400x32xf32, #tpu.memory_space<hbm>> -> memref<200x32xf32, #tpu.memory_space<hbm>>
    %dma_wait3A_42 = arith.constant 0 : i32
    %dma_wait3A_43 = arith.constant 0 : i32
    %dma_wait3A_44 = tpu.memref_slice %arg6[%dma_wait3A, %dma_wait3A_42, %dma_wait3A_43] : memref<2x200x32xf32, #tpu.memory_space<vmem>> -> memref<1x200x32xf32, #tpu.memory_space<vmem>>
    %dma_wait3A_45 = tpu.memref_squeeze %dma_wait3A_44 : memref<1x200x32xf32, #tpu.memory_space<vmem>> -> memref<200x32xf32, #tpu.memory_space<vmem>>
    tpu.wait_dma2 semaphore(%arg10 : memref<!tpu.dma_semaphore, #tpu.memory_space<semaphore_mem>>) src(%dma_wait3A_45 : memref<200x32xf32, #tpu.memory_space<vmem>>) dst(%dma_wait3A_41 : memref<200x32xf32, #tpu.memory_space<hbm>>)
    return
  }
}

</mosaic_0001>

<sc_bundles>
// kernel: _sc_gather.3.cloned.1.call-start
scs
__scs_entry_jumppad:
0x0: {  	(pc) =	sbr.rel $0x88, $3  }
0x1: {  	(tag) =	ssettag $0x0;
	lr =	simm.s32 $0x1  }
0x2: {  	[smem:$0x3F9F] =	sst lr;
	_ =	strace $0xD0000000  }
0x3: {  	_ = 	snop  }
0x4: {  	_ = 	snop  }
0x5: {  	_ = 	snop  }
0x6: {  	_ = 	snop  }
0x7: {  	_ = 	snop  }
__scs_overlays_trampoline_lowered:
0x8: {  	[smem:$0x3FAE] =	sst s0  }
0x9: {  	[smem:$0x3FAF] =	sst s1  }
0xa: {  	[smem:$0x3FB0] =	sst s2  }
0xb: {  	[smem:$0x3FB1] =	sst s3  }
0xc: {  	[smem:$0x3FB2] =	sst s4  }
0xd: {  	[smem:$0x3FB3] =	sst s5  }
0xe: {  	[smem:$0x3FB4] =	sst s6  }
0xf: {  	[smem:$0x3FB5] =	sst s7  }
0x10: {  	[smem:$0x3FB6] =	sst s8  }
0x11: {  	[smem:$0x3FB7] =	sst s9;
	s0 =	simm.s32 @!p0 $0x0  }
0x12: {  	s1 =	sld [smem:$0x3F9D];
	s0 =	simm.s32 @p0 $0x1  }
0x13: {  	[smem:$0x3FB8] =	sst s0;
	s0 =	simm.s32 @!p1 $0x0  }
0x14: {  	s2 =	sld [smem:$0x3F9C];
	s0 =	simm.s32 @p1 $0x1  }
0x15: {  	[smem:$0x3FB9] =	sst s0;
	s0 =	simm.s32 @!p2 $0x0  }
0x16: {  	s3 =	sld [smem:$0x3FDB];
	s0 =	simm.s32 @p2 $0x1  }
0x17: {  	s4 =	simm.s32 $0x1BF5;
	[smem:$0x3FBB] =	sst s0  }
0x18: {  	s0 =	sld [smem:$0x3F9E];
	_ =	swait.ge [sflag:s4], $0x0  }
0x19: {  	s7 =	sld [smem:$0x3F9F]  }
0x1a: {  	s8 =	sadd.s32 $0xFFFFE003, lr  }
0x1b: {  	s9 =	sadd.s32 $0xFFFFFEF7, lr;
	s5 =	simm.s32 $0xFFFFFFFF;
	p2 =	slt.u32 s8, $0xFFFFF086  }
0x1c: {  	p1 =	slt.u32 s9, $0xF7A;
	s5 =	simm.s32 @!p2 $0x0  }
0x1d: {  	s5 =	simm.s32 @p1 $0x1;
	p0 =	seq.s32 s7, s2  }
0x1e: {  	s7 =	smul.u32 @!p0 $0xF7A, s2;
	p2 =	seq.s32 @!p0 s5, $0x0  }
0x1f: {  	s9 =	smul.u32 $0xF7A, s1;
	s8 =	simm.s32 @!p0 $0x1BF5;
	p2 =	por !p2, p0  }
0x20: {  	[sflag:s8] =	ssyncset.s32 @!p0 $0xFFFFF086;
	s6 =	sadd.s32 @!p0 s3, s7;
	s7 =	simm.s32 @!p0 $0x108  }
0x21: {  	s3 =	sadd.s32 s3, s9;
	s6 =	sadd.s32 @!p0 $0x88, s6;
	s7 =	simm.s32 @p2 $0x1082  }
0x22: {  	[simem:s7], [sflag:s8] =	dma.local @!p0 [hbm:s6], $0xF7A  }
0x23: {  	s9 =	sor.u32 $0xD0000000, s2;
	s6 =	simm.s32 $0x108;
	_ =	swait.ge @!p0 [sflag:s8], $0x0  }
0x24: {  	s3 =	sadd.s32 $0x88, s3;
	s6 =	simm.s32 @!p1 $0x1082;
	[sflag:s4] =	ssyncset.s32 $0xFFFFF086  }
0x25: {  	[simem:s6], [sflag:s4] =	dma.local [hbm:s3], $0xF7A  }
0x26: {  	[smem:$0x3F9F] =	sst s1;
	(tag) =	ssettag s2;
	_ =	strace s9  }
0x27: {  	s1 =	sld [smem:$0x3FAF]  }
0x28: {  	s2 =	sld [smem:$0x3FB0]  }
0x29: {  	s4 =	sld [smem:$0x3FB2]  }
0x2a: {  	p0 =	seq.s32 s5, $0x0;
	s5 =	sld [smem:$0x3FB3]  }
0x2b: {  	s6 =	sld [smem:$0x3FB4]  }
0x2c: {  	s7 =	sld [smem:$0x3FB5]  }
0x2d: {  	s3 =	simm.s32 $0x108;
	s8 =	sld [smem:$0x3FB6]  }
0x2e: {  	s3 =	simm.s32 @!p0 $0x1082;
	s9 =	sld [smem:$0x3FB7]  }
0x2f: {  	lr =	sadd.s32 s0, s3;
	s0 =	sld [smem:$0x3FAE]  }
0x30: {  	s3 =	sld [smem:$0x3FB1]  }
0x31: {  	[smem:$0x3FBA] =	sst s10  }
0x32: {  	s10 =	sld [smem:$0x3FB8];
	_ =	sdelay $0x3  }
0x33: {  	p0 =	seq.s32 s10, $0x1;
	s10 =	sld [smem:$0x3FBA];
	_ =	sdelay $0x3  }
0x34: {  	[smem:$0x3FBA] =	sst s10  }
0x35: {  	s10 =	sld [smem:$0x3FB9];
	_ =	sdelay $0x3  }
0x36: {  	p1 =	seq.s32 s10, $0x1;
	s10 =	sld [smem:$0x3FBA];
	_ =	sdelay $0x3  }
0x37: {  	[smem:$0x3FBA] =	sst s10  }
0x38: {  	s10 =	sld [smem:$0x3FBB]  }
0x39: {  	_ = 	snop;
	(pc) =	sbr.ind lr, $3  }
0x3a: {  	_ = 	snop  }
0x3b: {  	_ = 	snop  }
0x3c: {  	p2 =	seq.s32 s10, $0x1;
	s10 =	sld [smem:$0x3FBA]  }
0x3d: {  	_ =	shalt  }
0x3e: {  	_ =	shalt  }
0x3f: {  	_ =	shalt  }
0x40: {  	_ =	shalt  }
0x41: {  	_ =	shalt  }
0x42: {  	_ =	shalt  }
0x43: {  	_ =	shalt  }
0x44: {  	_ =	shalt  }
0x45: {  	_ =	shalt  }
0x46: {  	_ =	shalt  }
0x47: {  	_ =	shalt  }
0x48: {  	_ =	shalt  }
0x49: {  	_ =	shalt  }
0x4a: {  	_ =	shalt  }
0x4b: {  	_ =	shalt  }
0x4c: {  	_ =	shalt  }
0x4d: {  	_ =	shalt  }
0x4e: {  	_ =	shalt  }
0x4f: {  	_ =	shalt  }
0x50: {  	_ =	shalt  }
0x51: {  	_ =	shalt  }
0x52: {  	_ =	shalt  }
0x53: {  	_ =	shalt  }
0x54: {  	_ =	shalt  }
0x55: {  	_ =	shalt  }
0x56: {  	_ =	shalt  }
0x57: {  	_ =	shalt  }
0x58: {  	_ =	shalt  }
0x59: {  	_ =	shalt  }
0x5a: {  	_ =	shalt  }
0x5b: {  	_ =	shalt  }
0x5c: {  	_ =	shalt  }
0x5d: {  	_ =	shalt  }
0x5e: {  	_ =	shalt  }
0x5f: {  	_ =	shalt  }
0x60: {  	_ =	shalt  }
0x61: {  	_ =	shalt  }
0x62: {  	_ =	shalt  }
0x63: {  	_ =	shalt  }
0x64: {  	_ =	shalt  }
0x65: {  	_ =	shalt  }
0x66: {  	_ =	shalt  }
0x67: {  	_ =	shalt  }
0x68: {  	_ =	shalt  }
0x69: {  	_ =	shalt  }
0x6a: {  	_ =	shalt  }
0x6b: {  	_ =	shalt  }
0x6c: {  	_ =	shalt  }
0x6d: {  	_ =	shalt  }
0x6e: {  	_ =	shalt  }
0x6f: {  	_ =	shalt  }
0x70: {  	_ =	shalt  }
0x71: {  	_ =	shalt  }
0x72: {  	_ =	shalt  }
0x73: {  	_ =	shalt  }
0x74: {  	_ =	shalt  }
0x75: {  	_ =	shalt  }
0x76: {  	_ =	shalt  }
0x77: {  	_ =	shalt  }
0x78: {  	_ =	shalt  }
0x79: {  	_ =	shalt  }
0x7a: {  	_ =	shalt  }
0x7b: {  	_ =	shalt  }
0x7c: {  	_ =	shalt  }
0x7d: {  	_ =	shalt  }
0x7e: {  	_ =	shalt  }
0x7f: {  	_ =	shalt  }
0x80: {  	_ =	shalt  }
0x81: {  	_ =	shalt  }
0x82: {  	_ =	shalt  }
0x83: {  	_ =	shalt  }
0x84: {  	_ =	shalt  }
0x85: {  	_ =	shalt  }
0x86: {  	_ =	shalt  }
0x87: {  	_ =	shalt  }
.Lfunc_end0:
.L_simem_size_0:
called_computation_lowered:
.L_overlay_start_0:
0x88: {  	s2 =	sld [smem:$0x3FD9]  }
0x89: {  	s3 =	sld [smem:$0x3FFE];
	_ =	sdelay $0x1  }
0x8a: {  	s1 =	srdreg.scid  }
0x8b: {  	s0 =	sand.u32 $0x1, s1  }
0x8c: {  	s17 =	sshll.u32 s0, $0xA;
	s2 =	sadd.s32 s3, s2  }
0x8d: {  	s2 =	sadd.s32 s2, s17  }
0x8e: {  	[smem:$0x3FC6] =	sst s2  }
0x8f: {  	_ = 	snop  }
0x90: {  	s2 =	sld [smem:$0x3FD0];
	(tm) =	ssettm $0x1  }
0x91: {  	s18 =	sld [smem:$0x3FFB];
	_ =	sdelay $0x3  }
0x92: {  	_ =	strace s18  }
0x93: {  	s3 =	sld [smem:$0x3FFC];
	_ =	sdelay $0x3  }
0x94: {  	_ =	strace s3  }
0x95: {  	s3 =	sld [smem:$0x3FFD];
	_ =	sdelay $0x3  }
0x96: {  	_ =	strace s3  }
0x97: {  	_ =	strace $0x8FFFFFFF  }
0x98: {  	s19 =	sld [smem:$0x3FDB];
	_ =	sdelay $0x1  }
0x99: {  	s4 =	simm.s32 $_scs_section_size  }
0x9a: {  	s5 =	simm.s32 $_size__tile_overlayer_lowered;
	s6 =	simm.s32 $_tile_overlayer_lowered  }
0x9b: {  	s22 =	simm.s32 $0x1BFF;
	s21 =	sshll.u32 s6, $0x1;
	s3 =	sadd.s32 s4, s19  }
0x9c: {  	s7 =	simm.s32 $0x0;
	s20 =	sshll.u32 s5, $0x1;
	s5 =	sadd.s32 s21, s3  }
0x9d: {  	[timem:s7], [sflag:s22] =	dma.local [hbm:s5], s20  }
0x9e: {  	_ =	swait.ge [sflag:s22], s20  }
0x9f: {  	s4 =	ssub.s32 $0x0, s20;
	[sflag:s22] =	ssyncset.done $0x0  }
0xa0: {  	[sflag:s22] =	ssyncadd.s32 s4;
	_ =	sdelay $0x1  }
0xa1: {  	s23 =	simm.s32 $0x1B8B  }
0xa2: {  	_ =	swait.ge [sflag:s23], $0x1  }
0xa3: {  	[sflag:s23] =	ssyncset.done $0x0  }
0xa4: {  	s25 =	simm.s32 $0x1B8E;
	s24 =	sld [smem:$0x3FFE];
	[sflag:s23] =	ssyncadd.s32 $0xFFFFFFFF  }
0xa5: {  	s26 =	simm.s32 $execute0_lowered;
	[smem:$0x3FD2] =	sst s25  }
0xa6: {  	s5 =	sshll.u32 s26, $0x1;
	_ =	strace $0x80000046;
	[dreg:$0x1] =	wrdreg $0xFFFFFFFF  }
0xa7: {  	s28 =	simm.s32 $_size_execute0_lowered;
	s3 =	sadd.s32 s3, s5;
	[dreg:$0x0] =	wrdreg $0x0  }
0xa8: {  	s5 =	sshll.u32 s28, $0x1;
	[dreg:$0x2] =	wrdreg s3  }
0xa9: {  	[dreg:$0x3] =	wrdreg s5  }
0xaa: {  	[dreg:$0x4] =	wrdreg $0xC0  }
0xab: {  	_ =	task [dreg:s7], $0x5FFFF  }
0xac: {  	[dreg:$0x1] =	wrdreg $0xFFFFFFFF  }
0xad: {  	[dreg:$0x0] =	wrdreg $0x60  }
0xae: {  	[dreg:$0x2] =	wrdreg s24  }
0xaf: {  	[dreg:$0x3] =	wrdreg s2  }
0xb0: {  	[dreg:$0x4] =	wrdreg $0x9  }
0xb1: {  	_ =	task.clear_ibuf [dreg:s7], $0x5FFFF;
	_ =	strace $0x90000046  }
0xb2: {  	s29 =	simm.s32 $0x9;
	_ =	strace $0x80000048  }
0xb3: {  	_ =	swait.ge [sflag:s29], $0x1  }
0xb4: {  	[sflag:s29] =	ssyncadd.s32 $0xFFFFFFFF  }
0xb5: {  	_ =	strace $0x90000048  }
0xb6: {  	_ =	sfence  }
0xb7: {  	s30 =	sld [smem:$0x0];
	_ =	sdelay $0x2  }
0xb8: {  	s31 =	sshll.u32 s1, $0xD;
	s1 =	sshrl.u32 s1, $0x2  }
0xb9: {  	s3 =	sand.u32 $0x4000, s31;
	s1 =	sadd.s32 s1, s30  }
0xba: {  	s0 =	sor.u32 s3, s0;
	s1 =	sshll.u32 s1, $0x11  }
0xbb: {  	s0 =	sor.u32 s1, s0  }
0xbc: {  	s0 =	sadd.s32 $0x8F2B, s0  }
0xbd: {  	[sflag:s0] =	ssyncadd.remote.s32 $0x1  }
0xbe: {  	_ =	sfence.sel $0xFFFF  }
0xbf: {  	[dreg:$0x0] =	wrdreg $0xFFFFFFFF;
	(pc) =	sbr.abs _section_cstart, $3  }
0xc0: {  	[dreg:$0x1] =	wrdreg $0xFFFFFFFF  }
0xc1: {  	_ =	task.clear_ibuf [dreg:s7], $0x2FFFF;
	_ =	strace $0x9FFFFFFF  }
0xc2: {  	(tm) =	ssettm $0x7FFFFFFF  }
0xc3: {  	_ =	shalt  }
tec
execute0_lowered:
.L_overlay_start_1:
0x0: {  	(tag) =	ssettag $0x1  }
0x1: {  	s4 =	rddreg [dreg:$0x0]  }
0x2: {  	s8 =	rddreg [dreg:$0x1]  }
0x3: {  	s2 =	srdreg.scid;
	s0 =	stileid.u32  }
0x4: {  	s12 =	simm.s32 $0x80;
	s13 =	simm.s32 $0xC80;
	s14 =	simm.s32 $0x48  }
0x5: {  	s15 =	simm.s32 $0x1C80;
	s16 =	simm.s32 $0x1;
	s17 =	simm.s32 $0xC8  }
0x6: {  	s18 =	simm.s32 $0x2580;
	s19 =	simm.s32 $0x148;
	s20 =	simm.s32 $0x3580  }
0x7: {  	s21 =	simm.s32 $0x2;
	s22 =	simm.s32 $0x3;
	s23 =	simm.s32 $0x190  }
0x8: {  	s24 =	simm.s32 $0x210;
	s25 =	simm.s32 $0x4;
	s28 =	simm.s32 $0xC38  }
0x9: {  	s29 =	simm.s32 $0x0;
	s6 =	sand.u32 $0x1, s2;
	s2 =	simm.s32 $0x0  }
0xa: {  	s3 =	sshll.u32 s0, $0x5;
	s30 =	smul.u32 $0x6400, s0;
	s5 =	sshll.u32 s6, $0x4  }
0xb: {  	[smem:$0x7FF] =	sst s2;
	s9 =	ssub.s32 $0x2, s6;
	s31 =	smul.u32 $0x3200, s6  }
0xc: {  	s5 =	sor.u32 s5, s3;
	_ =	strace $0x80000047;
	s3 =	sadd.s32 $0xF42A00, s4  }
0xd: {  	s10 =	sshrl.u32 s9, $0x1;
	s11 =	sadd.s32 s30, s8;
	s7 =	smul.u32 $0x19, s5  }
0xe: {  	s5 =	smul.u32 $0x320, s5;
	s26 =	ssub.s32 s9, s10;
	s10 =	sadd.s32 s31, s11  }
0xf: {  	s11 =	simm.s32 $0x5;
	s6 =	smax.u32 s26, $0x1;
	s4 =	sadd.s32 s7, s4  }
0x10: {  	s26 =	simm.s32 $0xBB8;
	s5 =	sadd.s32 s8, s5;
	s4 =	sadd.s32 $0x600, s4  }
0x11: {  	s7 =	sadd.s32 $0x320, s5;
	s8 =	sadd.s32 $0x2BC0, s5;
	s9 =	sadd.s32 $0x2EE0, s5  }
.LBB2_1:
0x12: {  	[tilespmem:s2], [sflag:$0x5] =	stream.linear.gather [hbm4b:s4+s2], $0xC80, $0x38;
	[tilespmem:$0x3E80] =	vst v63  }
0x13: {  	_ =	swait.ge [sflag:s11], $0xC80  }
0x14: {  	[sflag:s11] =	ssyncset.done $0x0  }
0x15: {  	[sflag:s11] =	ssyncadd.s32 $0xFFFFF380  }
0x16: {  	[tilespmem:s13], [sflag:$0x1] =	stream.indirect.gather [hbm4b:s3+s12], $0x20, s2, s12, $0xb8;
	[tilespmem:$0x3E80] =	vst v63  }
0x17: {  	_ = 	snop  }
0x18: {  	[tilespmem:s15], [sflag:$0x1] =	stream.indirect.gather [hbm4b:s3+s14], $0x20, s12, s14, $0xb8;
	[tilespmem:$0x3E80] =	vst v63  }
0x19: {  	_ =	swait.ge [sflag:s16], $0x1000  }
0x1a: {  	[sflag:s16] =	ssyncset.done $0x0  }
0x1b: {  	[sflag:s16] =	ssyncadd.s32 $0xFFFFF000  }
0x1c: {  	_ =	swait.ge [sflag:s16], $0x900  }
0x1d: {  	[sflag:s16] =	ssyncset.done $0x0  }
0x1e: {  	[sflag:s16] =	ssyncadd.s32 $0xFFFFF700  }
0x1f: {  	[tilespmem:s18], [sflag:$0x2] =	stream.indirect.gather [hbm4b:s3+s12], $0x20, s17, s12, $0xb8;
	[tilespmem:$0x3E80] =	vst v63  }
0x20: {  	_ = 	snop  }
0x21: {  	[tilespmem:s20], [sflag:$0x2] =	stream.indirect.gather [hbm4b:s3+s14], $0x20, s19, s14, $0xb8;
	[tilespmem:$0x3E80] =	vst v63  }
0x22: {  	_ = 	snop  }
0x23: {  	[hbm4b:s5+s2] =	stream.linear.scatter [tilespmem:s13], [sflag:$0x3], $0x1900, $0x38;
	[tilespmem:$0x3E80] =	vst v63  }
0x24: {  	_ =	swait.ge [sflag:s21], $0x1000  }
0x25: {  	[sflag:s21] =	ssyncset.done $0x0  }
0x26: {  	[sflag:s21] =	ssyncadd.s32 $0xFFFFF000  }
0x27: {  	_ =	swait.ge [sflag:s21], $0x900  }
0x28: {  	[sflag:s21] =	ssyncset.done $0x0  }
0x29: {  	[sflag:s21] =	ssyncadd.s32 $0xFFFFF700  }
0x2a: {  	_ =	swait.ge [sflag:s22], $0x1900  }
0x2b: {  	[sflag:s22] =	ssyncset.done $0x0  }
0x2c: {  	[sflag:s22] =	ssyncadd.s32 $0xFFFFE700  }
0x2d: {  	[tilespmem:s13], [sflag:$0x1] =	stream.indirect.gather [hbm4b:s3+s12], $0x20, s23, s12, $0xb8;
	[tilespmem:$0x3E80] =	vst v63  }
0x2e: {  	_ = 	snop  }
0x2f: {  	[tilespmem:s15], [sflag:$0x1] =	stream.indirect.gather [hbm4b:s3+s14], $0x20, s24, s14, $0xb8;
	[tilespmem:$0x3E80] =	vst v63  }
0x30: {  	_ = 	snop  }
0x31: {  	[hbm4b:s7+s2] =	stream.linear.scatter [tilespmem:s18], [sflag:$0x4], $0x1900, $0x38;
	[tilespmem:$0x3E80] =	vst v63  }
0x32: {  	_ =	swait.ge [sflag:s16], $0x1000  }
0x33: {  	[sflag:s16] =	ssyncset.done $0x0  }
0x34: {  	[sflag:s16] =	ssyncadd.s32 $0xFFFFF000  }
0x35: {  	_ =	swait.ge [sflag:s16], $0x900  }
0x36: {  	[sflag:s16] =	ssyncset.done $0x0  }
0x37: {  	[sflag:s16] =	ssyncadd.s32 $0xFFFFF700  }
0x38: {  	_ =	swait.ge [sflag:s25], $0x1900  }
0x39: {  	[sflag:s25] =	ssyncset.done $0x0  }
0x3a: {  	s30 =	simm.s32 $0x258;
	[sflag:s25] =	ssyncadd.s32 $0xFFFFE700  }
0x3b: {  	[tilespmem:s18], [sflag:$0x2] =	stream.indirect.gather [hbm4b:s3+s12], $0x20, s30, s12, $0xb8;
	[tilespmem:$0x3E80] =	vst v63  }
0x3c: {  	s31 =	sadd.s32 $0x0, s10;
	s30 =	simm.s32 $0x2D8  }
0x3d: {  	[tilespmem:s20], [sflag:$0x2] =	stream.indirect.gather [hbm4b:s3+s14], $0x20, s30, s14, $0xb8;
	[tilespmem:$0x3E80] =	vst v63  }
0x3e: {  	s30 =	sadd.s32 $0x640, s31  }
0x3f: {  	[hbm4b:s30+s2] =	stream.linear.scatter [tilespmem:s13], [sflag:$0x3], $0x1900, $0x38;
	[tilespmem:$0x3E80] =	vst v63  }
0x40: {  	_ =	swait.ge [sflag:s21], $0x1000  }
0x41: {  	[sflag:s21] =	ssyncset.done $0x0  }
0x42: {  	[sflag:s21] =	ssyncadd.s32 $0xFFFFF000  }
0x43: {  	_ =	swait.ge [sflag:s21], $0x900  }
0x44: {  	[sflag:s21] =	ssyncset.done $0x0  }
0x45: {  	[sflag:s21] =	ssyncadd.s32 $0xFFFFF700  }
0x46: {  	_ =	swait.ge [sflag:s22], $0x1900  }
0x47: {  	[sflag:s22] =	ssyncset.done $0x0  }
0x48: {  	s30 =	simm.s32 $0x320;
	[sflag:s22] =	ssyncadd.s32 $0xFFFFE700  }
0x49: {  	[tilespmem:s13], [sflag:$0x1] =	stream.indirect.gather [hbm4b:s3+s12], $0x20, s30, s12, $0xb8;
	[tilespmem:$0x3E80] =	vst v63  }
0x4a: {  	s30 =	simm.s32 $0x3A0  }
0x4b: {  	[tilespmem:s15], [sflag:$0x1] =	stream.indirect.gather [hbm4b:s3+s14], $0x20, s30, s14, $0xb8;
	[tilespmem:$0x3E80] =	vst v63  }
0x4c: {  	s31 =	sadd.s32 $0x960, s31;
	s30 =	simm.s32 $0x640  }
.LBB2_2:
0x4d: {  	[hbm4b:s31+s2] =	stream.linear.scatter [tilespmem:s18], [sflag:$0x4], $0x1900, $0x38;
	[tilespmem:$0x3E80] =	vst v63  }
0x4e: {  	s31 =	smov.u32 s30  }
0x4f: {  	p0 =	sne.s32 s30, $0x1F40;
	s30 =	sadd.s32 $0x640, s30;
	_ =	swait.ge [sflag:s16], $0x1000  }
0x50: {  	[sflag:s16] =	ssyncset.done $0x0  }
0x51: {  	[sflag:s16] =	ssyncadd.s32 $0xFFFFF000  }
0x52: {  	_ =	swait.ge [sflag:s16], $0x900  }
0x53: {  	[sflag:s16] =	ssyncset.done $0x0  }
0x54: {  	[sflag:s16] =	ssyncadd.s32 $0xFFFFF700  }
0x55: {  	_ =	swait.ge [sflag:s25], $0x1900  }
0x56: {  	s0 =	sshra.s32 s31, $0x2;
	[sflag:s25] =	ssyncset.done $0x0  }
0x57: {  	s1 =	sadd.s32 $0x258, s0;
	[sflag:s25] =	ssyncadd.s32 $0xFFFFE700  }
0x58: {  	[tilespmem:s18], [sflag:$0x2] =	stream.indirect.gather [hbm4b:s3+s12], $0x20, s1, s12, $0xb8;
	[tilespmem:$0x3E80] =	vst v63  }
0x59: {  	s31 =	sadd.s32 s31, s10;
	s1 =	sadd.s32 $0x2D8, s0  }
0x5a: {  	[tilespmem:s20], [sflag:$0x2] =	stream.indirect.gather [hbm4b:s3+s14], $0x20, s1, s14, $0xb8;
	[tilespmem:$0x3E80] =	vst v63  }
0x5b: {  	s1 =	sadd.s32 $0x640, s31  }
0x5c: {  	[hbm4b:s1+s2] =	stream.linear.scatter [tilespmem:s13], [sflag:$0x3], $0x1900, $0x38;
	[tilespmem:$0x3E80] =	vst v63  }
0x5d: {  	_ =	swait.ge [sflag:s21], $0x1000  }
0x5e: {  	[sflag:s21] =	ssyncset.done $0x0  }
0x5f: {  	[sflag:s21] =	ssyncadd.s32 $0xFFFFF000  }
0x60: {  	_ =	swait.ge [sflag:s21], $0x900  }
0x61: {  	[sflag:s21] =	ssyncset.done $0x0  }
0x62: {  	[sflag:s21] =	ssyncadd.s32 $0xFFFFF700  }
0x63: {  	_ =	swait.ge [sflag:s22], $0x1900  }
0x64: {  	[sflag:s22] =	ssyncset.done $0x0  }
.Ltmp0:
0x65: {  	s1 =	sadd.s32 $0x320, s0;
	[sflag:s22] =	ssyncadd.s32 $0xFFFFE700;
	(pc) =	sbr.rel @p0 .LBB2_2-.Ltmp0, $4  }
0x66: {  	[tilespmem:s13], [sflag:$0x1] =	stream.indirect.gather [hbm4b:s3+s12], $0x20, s1, s12, $0xb8;
	[tilespmem:$0x3E80] =	vst v63  }
0x67: {  	s0 =	sadd.s32 $0x3A0, s0  }
0x68: {  	[tilespmem:s15], [sflag:$0x1] =	stream.indirect.gather [hbm4b:s3+s14], $0x20, s0, s14, $0xb8;
	[tilespmem:$0x3E80] =	vst v63  }
0x69: {  	s31 =	sadd.s32 $0x960, s31  }
0x6a: {  	[hbm4b:s31+s2] =	stream.linear.scatter [tilespmem:s18], [sflag:$0x4], $0x1900, $0x38;
	[tilespmem:$0x3E80] =	vst v63  }
0x6b: {  	_ =	swait.ge [sflag:s16], $0x1000  }
0x6c: {  	[sflag:s16] =	ssyncset.done $0x0  }
0x6d: {  	[sflag:s16] =	ssyncadd.s32 $0xFFFFF000  }
0x6e: {  	_ =	swait.ge [sflag:s16], $0x900  }
0x6f: {  	[sflag:s16] =	ssyncset.done $0x0  }
0x70: {  	[sflag:s16] =	ssyncadd.s32 $0xFFFFF700  }
0x71: {  	_ =	swait.ge [sflag:s25], $0x1900  }
0x72: {  	[sflag:s25] =	ssyncset.done $0x0  }
0x73: {  	[sflag:s25] =	ssyncadd.s32 $0xFFFFE700  }
0x74: {  	[tilespmem:s18], [sflag:$0x2] =	stream.indirect.gather [hbm4b:s3+s12], $0x20, s26, s12, $0xb8;
	[tilespmem:$0x3E80] =	vst v63  }
0x75: {  	_ = 	snop  }
0x76: {  	[tilespmem:s20], [sflag:$0x2] =	stream.indirect.gather [hbm4b:s3+s14], $0x20, s28, s14, $0xb8;
	[tilespmem:$0x3E80] =	vst v63  }
0x77: {  	_ = 	snop  }
0x78: {  	[hbm4b:s8+s2] =	stream.linear.scatter [tilespmem:s13], [sflag:$0x3], $0x1900, $0x38;
	[tilespmem:$0x3E80] =	vst v63  }
0x79: {  	_ =	swait.ge [sflag:s21], $0x1000  }
0x7a: {  	[sflag:s21] =	ssyncset.done $0x0  }
0x7b: {  	[sflag:s21] =	ssyncadd.s32 $0xFFFFF000  }
0x7c: {  	_ =	swait.ge [sflag:s21], $0x900  }
0x7d: {  	[sflag:s21] =	ssyncset.done $0x0  }
0x7e: {  	[sflag:s21] =	ssyncadd.s32 $0xFFFFF700  }
0x7f: {  	s29 =	sadd.s32 $0x1, s29;
	_ =	swait.ge [sflag:s22], $0x1900  }
0x80: {  	p0 =	sne.s32 s29, s6;
	[sflag:s22] =	ssyncset.done $0x0  }
.Ltmp1:
0x81: {  	[sflag:s22] =	ssyncadd.s32 $0xFFFFE700;
	(pc) =	sbr.rel @p0 .LBB2_1-.Ltmp1, $4  }
0x82: {  	[hbm4b:s9+s2] =	stream.linear.scatter [tilespmem:s18], [sflag:$0x4], $0x1900, $0x38;
	[tilespmem:$0x3E80] =	vst v63  }
0x83: {  	_ =	swait.ge [sflag:s25], $0x1900  }
0x84: {  	[sflag:s25] =	ssyncset.done $0x0  }
0x85: {  	[sflag:s25] =	ssyncadd.s32 $0xFFFFE700  }
0x86: {  	_ =	sfence.sel $0x180000  }
0x87: {  	[bflag:$0x0] =	sbarrier.arrive $0xFFFF  }
0x88: {  	_ =	strace $0x90000047  }
0x89: {  	s0 =	stileid.u32;
	[bflag:$0x2] =	sbarrier.arrive $0xFFFF  }
0x8a: {  	p0 =	sne.s32 s0, $0x0;
	s0 =	rddreg [dreg:$0x2]  }
0x8b: {  	s0 =	sadd.s32 @!p0 $0x100000, s0  }
0x8c: {  	[sflag:s0] =	ssyncadd.tile.s32 @!p0 $0x1;
	_ =	shalt  }
.Lfunc_end2:
_tile_overlayer_lowered:
.L_overlay_start_2:
0x8d: {  	(tag) =	ssettag $0x2  }
0x8e: {  	s0 =	rddreg [dreg:$0x0];
	s2 =	stileid.u32  }
0x8f: {  	s1 =	rddreg [dreg:$0x1];
	p0 =	sne.s32 s2, $0x0  }
0x90: {  	s3 =	rddreg [dreg:$0x2];
	[bflag:$0x3] =	sbarrier.arrive $0xFFFF;
	s2 =	simm.s32 @!p0 $0x1C05  }
0x91: {  	[timem:s3], [sflag:s2] =	dma.local @!p0 [hbm:s0], s1  }
0x92: {  	s0 =	simm.s32 @!p0 $0x5  }
0x93: {  	_ =	swait.ge @!p0 [sflag:s0], s1  }
0x94: {  	s1 =	ssub.s32 @!p0 $0x0, s1;
	[sflag:s0] =	ssyncset.done @!p0 $0x0  }
0x95: {  	[sflag:s0] =	ssyncadd.s32 @!p0 s1  }
0x96: {  	[bflag:$0x3] =	sbarrier.arrive $0xFFFF  }
0x97: {  	_ =	shalt  }

</sc_bundles>
